<compile_context>
chip_gen: v7x
topology: tpu7x:2x2x1
jax: 0.10.2.dev20260603
libtpu: 0.0.44.dev20260713+nightly
codegen_flags: <defaults>
</compile_context>

<pallas_src>
import dataclasses
import functools

import jax
import jax.numpy as jnp
from jax import lax
from jax.experimental import pallas as pl
from jax.experimental.pallas import tpu as pltpu
from jax.experimental.pallas import tpu_sc as plsc

N_NEURONS = 6
N_BITS = 12
IN_BITS = 48
RAM_SIZE = 4096
TABLE = N_NEURONS * RAM_SIZE

CB = 8192
NW = 32


def _addr_body(conn_ref, inpt_ref, out_ref):
    conn = conn_ref[...]
    ii = lax.broadcasted_iota(jnp.int32, (N_NEURONS, N_BITS, IN_BITS), 2)
    kk = lax.broadcasted_iota(jnp.int32, (N_NEURONS, N_BITS, IN_BITS), 1)
    pow2 = jnp.left_shift(jnp.int32(1), (N_BITS - 1) - kk)
    w = jnp.sum(jnp.where(conn[:, :, None] == ii, pow2, 0), axis=1)
    w_hi = (w >> 6).astype(jnp.bfloat16)
    w_lo = (w & 63).astype(jnp.bfloat16)

    x = inpt_ref[...].astype(jnp.bfloat16)
    m_hi = jnp.dot(w_hi, x, preferred_element_type=jnp.float32)
    m_lo = jnp.dot(w_lo, x, preferred_element_type=jnp.float32)
    addr = (m_hi * 64.0 + m_lo).astype(jnp.int32)
    j = lax.broadcasted_iota(jnp.int32, (N_NEURONS, CB), 0)
    out_ref[...] = addr + j * RAM_SIZE


def _addresses(inp_t, connections):
    b = inp_t.shape[1]
    return pl.pallas_call(
        _addr_body,
        grid=(b // CB,),
        in_specs=[
            pl.BlockSpec((N_NEURONS, N_BITS), lambda i: (0, 0)),
            pl.BlockSpec((IN_BITS, CB), lambda i: (0, i)),
        ],
        out_specs=pl.BlockSpec((N_NEURONS, CB), lambda i: (0, i)),
        out_shape=jax.ShapeDtypeStruct((N_NEURONS, b), jnp.int32),
    )(connections, inp_t)


def _lookup(flat_idx, ram_flat):
    total = flat_idx.shape[0]
    per = total // NW
    mesh = plsc.VectorSubcoreMesh(core_axis_name="c", subcore_axis_name="s")
    cp = pltpu.CompilerParams()
    if "needs_layout_passes" in pltpu.CompilerParams.__dataclass_fields__:
        cp = dataclasses.replace(cp, needs_layout_passes=False)

    @functools.partial(
        pl.kernel,
        out_type=jax.ShapeDtypeStruct((total,), jnp.float32),
        mesh=mesh,
        compiler_params=cp,
        scratch_types=[
            pltpu.VMEM((TABLE,), jnp.float32),
            pltpu.VMEM((per,), jnp.int32),
            pltpu.VMEM((per,), jnp.float32),
        ],
    )
    def k(idx_hbm, ram_hbm, out_hbm, table_v, idx_v, out_v):
        wid = lax.axis_index("s") * 2 + lax.axis_index("c")
        base = wid * per
        pltpu.sync_copy(ram_hbm, table_v)
        pltpu.sync_copy(idx_hbm.at[pl.ds(base, per)], idx_v)

        @pl.loop(0, per, step=16, unroll=8)
        def _(i):
            iv = idx_v[pl.ds(i, 16)]
            out_v[pl.ds(i, 16)] = plsc.load_gather(table_v, [iv])

        pltpu.sync_copy(out_v, out_hbm.at[pl.ds(base, per)])

    return k(flat_idx, ram_flat)


def kernel(inp, connections, ram):
    b = inp.shape[0]
    flat_idx = _addresses(inp.T, connections).reshape(-1)
    out = _lookup(flat_idx, ram.reshape(-1))
    return out.reshape(N_NEURONS, b).T

# --- scband reference (transcript-rebuilt; emitter-appended) ---
"""Pipeline reference for scband-ngram-language-model-57372173139994 (READ-ONLY COPY).

The authoritative reference and input builder live on the scoring server;
editing this copy changes nothing except your own understanding.
"""

import jax, jax.numpy as jnp
import numpy as np

N = 8
BITS_PER_CHAR = 6  # (33-1).bit_length() for default charset of 33 chars
INPUT_BITS = N * BITS_PER_CHAR  # 48
NUM_NEURONS = BITS_PER_CHAR     # output_bits = 6
NBITS = min(INPUT_BITS, 12)     # 12 address bits per RAM neuron
RAM_SIZE = 2 ** NBITS           # 4096 cells per neuron
BATCH = 262144


def setup_inputs(seed: int = 0) -> dict:
    key = jax.random.key(seed)
    k1, k2, k3 = jax.random.split(key, 3)
    # batch of encoded n-gram contexts: binary vectors of length INPUT_BITS
    inp = jax.random.randint(k1, (BATCH, INPUT_BITS), 0, 2, dtype=jnp.int32)
    # learned/structural params of the RAMLayer:
    # each neuron samples NBITS input bit positions (fixed random wiring)
    connections = jax.random.randint(k2, (NUM_NEURONS, NBITS), 0, INPUT_BITS, dtype=jnp.int32)
    # RAM contents: one stored bit per (neuron, address) cell (trained via commit())
    ram = (jax.random.uniform(k3, (NUM_NEURONS, RAM_SIZE)) > 0.5).astype(jnp.float32)
    return {"inp": inp, "connections": connections, "ram": ram}


def reference(inp, connections, ram):
    # Faithful WiSARD-style RAM layer forward (NGramLanguageModel.predictor):
    # 1) gather each neuron's wired input bits -> [B, NUM_NEURONS, NBITS]
    B = inp.shape[0]
    sel = jnp.take(inp, connections.reshape(-1), axis=1).reshape(B, NUM_NEURONS, NBITS)
    # 2) form RAM address from the selected bits (MSB-first)
    weights = (2 ** jnp.arange(NBITS - 1, -1, -1)).astype(jnp.int32)
    addr = jnp.sum(sel * weights[None, None, :], axis=-1)  # [B, NUM_NEURONS]
    # 3) memory lookup: out[b, j] = ram[j, addr[b, j]]
    flat_idx = addr + jnp.arange(NUM_NEURONS, dtype=jnp.int32)[None, :] * RAM_SIZE
    out = jnp.take(ram.reshape(-1), flat_idx.reshape(-1)).reshape(B, NUM_NEURONS)
    return out

if __name__ == "__main__":
    import jax
    _d = setup_inputs()
    print(jax.jit(kernel)(*tuple(_d.values())))

</pallas_src>

<mosaic_0001>
#map = affine_map<(d0, d1) -> (0)>
module attributes {stable_mosaic.version = 14 : i64} {
  func.func @k(%arg0: i32, %arg1: i32, %arg2: memref<1572864xi32, #tpu.memory_space<hbm>>, %arg3: memref<24576xf32, #tpu.memory_space<hbm>>, %arg4: memref<1572864xf32, #tpu.memory_space<hbm>>, %arg5: memref<24576xf32, #tpu.memory_space<vmem>>, %arg6: memref<49152xi32, #tpu.memory_space<vmem>>, %arg7: memref<49152xf32, #tpu.memory_space<vmem>>) attributes {dimension_semantics = [#tpu.dimension_semantics<core_parallel>, #tpu.dimension_semantics<subcore_parallel>], iteration_bounds = array<i64: 2, 16>, scalar_prefetch = 0 : i64, scratch_operands = 3 : i64, tpu.core_type = #tpu.core_type<sc_vector_subcore>, window_params = [{transform_indices = #map}, {transform_indices = #map}, {transform_indices = #map}]} {
    %mul3A = arith.constant 2 : i32
    %mul3A_0 = arith.muli %arg1, %mul3A : i32
    %add3A = arith.addi %mul3A_0, %arg0 : i32
    %mul3A_1 = arith.constant 49152 : i32
    %mul3A_2 = arith.muli %add3A, %mul3A_1 : i32
    "tpu.region"() ({
      %run_scoped3A = tpu.sem_alloc : memref<!tpu.dma_semaphore, #tpu.memory_space<semaphore_mem>>
      tpu.enqueue_dma source(%arg3 : memref<24576xf32, #tpu.memory_space<hbm>>) target(%arg5 : memref<24576xf32, #tpu.memory_space<vmem>>) target_semaphore(%run_scoped3A : memref<!tpu.dma_semaphore, #tpu.memory_space<semaphore_mem>>)
      tpu.wait_dma2 semaphore(%run_scoped3A : memref<!tpu.dma_semaphore, #tpu.memory_space<semaphore_mem>>) src(%arg3 : memref<24576xf32, #tpu.memory_space<hbm>>) dst(%arg5 : memref<24576xf32, #tpu.memory_space<vmem>>)
      tpu.yield
    }) : () -> ()
    "tpu.region"() ({
      %run_scoped3A = tpu.sem_alloc : memref<!tpu.dma_semaphore, #tpu.memory_space<semaphore_mem>>
      %dma_start3A = tpu.memref_slice %arg2[%mul3A_2] : memref<1572864xi32, #tpu.memory_space<hbm>> -> memref<49152xi32, #tpu.memory_space<hbm>>
      %dma_start3A_7 = tpu.memref_slice %arg2[%mul3A_2] : memref<1572864xi32, #tpu.memory_space<hbm>> -> memref<49152xi32, #tpu.memory_space<hbm>>
      tpu.enqueue_dma source(%dma_start3A_7 : memref<49152xi32, #tpu.memory_space<hbm>>) target(%arg6 : memref<49152xi32, #tpu.memory_space<vmem>>) target_semaphore(%run_scoped3A : memref<!tpu.dma_semaphore, #tpu.memory_space<semaphore_mem>>)
      %dma_wait3A = tpu.memref_slice %arg2[%mul3A_2] : memref<1572864xi32, #tpu.memory_space<hbm>> -> memref<49152xi32, #tpu.memory_space<hbm>>
      %dma_wait3A_8 = tpu.memref_slice %arg2[%mul3A_2] : memref<1572864xi32, #tpu.memory_space<hbm>> -> memref<49152xi32, #tpu.memory_space<hbm>>
      tpu.wait_dma2 semaphore(%run_scoped3A : memref<!tpu.dma_semaphore, #tpu.memory_space<semaphore_mem>>) src(%dma_wait3A_8 : memref<49152xi32, #tpu.memory_space<hbm>>) dst(%arg6 : memref<49152xi32, #tpu.memory_space<vmem>>)
      tpu.yield
    }) : () -> ()
    %scan3A = arith.constant 0 : i32
    %scan3A_3 = arith.constant 3072 : i32
    %scan3A_4 = arith.addi %scan3A, %scan3A_3 : i32
    %scan3A_5 = arith.constant 8 : i32
    scf.for %scan3A_7 = %scan3A to %scan3A_4 step %scan3A_5  : i32 {
      %mul3A_8 = arith.constant 16 : i32
      %mul3A_9 = arith.muli %scan3A_7, %mul3A_8 : i32
      %add3A_10 = arith.constant 0 : i32
      %add3A_11 = arith.addi %add3A_10, %mul3A_9 : i32
      %get3A = arith.index_cast %add3A_11 : i32 to index
      %get3A_12 = tpu.vector_load %arg6[%get3A] {strides = array<i32>} : memref<49152xi32, #tpu.memory_space<vmem>>, vector<16xi32>,
      %gather3A = tpu.vector_load_idx %arg5[%get3A_12] : memref<24576xf32, #tpu.memory_space<vmem>>[vector<16xi32>], vector<16xf32>,
      %swap3A = arith.index_cast %add3A_11 : i32 to index
      %swap3A_13 = tpu.vector_load %arg7[%swap3A] {strides = array<i32>} : memref<49152xf32, #tpu.memory_space<vmem>>, vector<16xf32>,
      tpu.vector_store %arg7[%swap3A], %gather3A {strides = array<i32>} : memref<49152xf32, #tpu.memory_space<vmem>>, vector<16xf32>,
      %scan3A_14 = arith.constant 1 : i32
      %scan3A_15 = arith.addi %scan3A_7, %scan3A_14 : i32
      %mul3A_16 = arith.constant 16 : i32
      %mul3A_17 = arith.muli %scan3A_15, %mul3A_16 : i32
      %add3A_18 = arith.constant 0 : i32
      %add3A_19 = arith.addi %add3A_18, %mul3A_17 : i32
      %get3A_20 = arith.index_cast %add3A_19 : i32 to index
      %get3A_21 = tpu.vector_load %arg6[%get3A_20] {strides = array<i32>} : memref<49152xi32, #tpu.memory_space<vmem>>, vector<16xi32>,
      %gather3A_22 = tpu.vector_load_idx %arg5[%get3A_21] : memref<24576xf32, #tpu.memory_space<vmem>>[vector<16xi32>], vector<16xf32>,
      %swap3A_23 = arith.index_cast %add3A_19 : i32 to index
      %swap3A_24 = tpu.vector_load %arg7[%swap3A_23] {strides = array<i32>} : memref<49152xf32, #tpu.memory_space<vmem>>, vector<16xf32>,
      tpu.vector_store %arg7[%swap3A_23], %gather3A_22 {strides = array<i32>} : memref<49152xf32, #tpu.memory_space<vmem>>, vector<16xf32>,
      %scan3A_25 = arith.constant 2 : i32
      %scan3A_26 = arith.addi %scan3A_7, %scan3A_25 : i32
      %mul3A_27 = arith.constant 16 : i32
      %mul3A_28 = arith.muli %scan3A_26, %mul3A_27 : i32
      %add3A_29 = arith.constant 0 : i32
      %add3A_30 = arith.addi %add3A_29, %mul3A_28 : i32
      %get3A_31 = arith.index_cast %add3A_30 : i32 to index
      %get3A_32 = tpu.vector_load %arg6[%get3A_31] {strides = array<i32>} : memref<49152xi32, #tpu.memory_space<vmem>>, vector<16xi32>,
      %gather3A_33 = tpu.vector_load_idx %arg5[%get3A_32] : memref<24576xf32, #tpu.memory_space<vmem>>[vector<16xi32>], vector<16xf32>,
      %swap3A_34 = arith.index_cast %add3A_30 : i32 to index
      %swap3A_35 = tpu.vector_load %arg7[%swap3A_34] {strides = array<i32>} : memref<49152xf32, #tpu.memory_space<vmem>>, vector<16xf32>,
      tpu.vector_store %arg7[%swap3A_34], %gather3A_33 {strides = array<i32>} : memref<49152xf32, #tpu.memory_space<vmem>>, vector<16xf32>,
      %scan3A_36 = arith.constant 3 : i32
      %scan3A_37 = arith.addi %scan3A_7, %scan3A_36 : i32
      %mul3A_38 = arith.constant 16 : i32
      %mul3A_39 = arith.muli %scan3A_37, %mul3A_38 : i32
      %add3A_40 = arith.constant 0 : i32
      %add3A_41 = arith.addi %add3A_40, %mul3A_39 : i32
      %get3A_42 = arith.index_cast %add3A_41 : i32 to index
      %get3A_43 = tpu.vector_load %arg6[%get3A_42] {strides = array<i32>} : memref<49152xi32, #tpu.memory_space<vmem>>, vector<16xi32>,
      %gather3A_44 = tpu.vector_load_idx %arg5[%get3A_43] : memref<24576xf32, #tpu.memory_space<vmem>>[vector<16xi32>], vector<16xf32>,
      %swap3A_45 = arith.index_cast %add3A_41 : i32 to index
      %swap3A_46 = tpu.vector_load %arg7[%swap3A_45] {strides = array<i32>} : memref<49152xf32, #tpu.memory_space<vmem>>, vector<16xf32>,
      tpu.vector_store %arg7[%swap3A_45], %gather3A_44 {strides = array<i32>} : memref<49152xf32, #tpu.memory_space<vmem>>, vector<16xf32>,
      %scan3A_47 = arith.constant 4 : i32
      %scan3A_48 = arith.addi %scan3A_7, %scan3A_47 : i32
      %mul3A_49 = arith.constant 16 : i32
      %mul3A_50 = arith.muli %scan3A_48, %mul3A_49 : i32
      %add3A_51 = arith.constant 0 : i32
      %add3A_52 = arith.addi %add3A_51, %mul3A_50 : i32
      %get3A_53 = arith.index_cast %add3A_52 : i32 to index
      %get3A_54 = tpu.vector_load %arg6[%get3A_53] {strides = array<i32>} : memref<49152xi32, #tpu.memory_space<vmem>>, vector<16xi32>,
      %gather3A_55 = tpu.vector_load_idx %arg5[%get3A_54] : memref<24576xf32, #tpu.memory_space<vmem>>[vector<16xi32>], vector<16xf32>,
      %swap3A_56 = arith.index_cast %add3A_52 : i32 to index
      %swap3A_57 = tpu.vector_load %arg7[%swap3A_56] {strides = array<i32>} : memref<49152xf32, #tpu.memory_space<vmem>>, vector<16xf32>,
      tpu.vector_store %arg7[%swap3A_56], %gather3A_55 {strides = array<i32>} : memref<49152xf32, #tpu.memory_space<vmem>>, vector<16xf32>,
      %scan3A_58 = arith.constant 5 : i32
      %scan3A_59 = arith.addi %scan3A_7, %scan3A_58 : i32
      %mul3A_60 = arith.constant 16 : i32
      %mul3A_61 = arith.muli %scan3A_59, %mul3A_60 : i32
      %add3A_62 = arith.constant 0 : i32
      %add3A_63 = arith.addi %add3A_62, %mul3A_61 : i32
      %get3A_64 = arith.index_cast %add3A_63 : i32 to index
      %get3A_65 = tpu.vector_load %arg6[%get3A_64] {strides = array<i32>} : memref<49152xi32, #tpu.memory_space<vmem>>, vector<16xi32>,
      %gather3A_66 = tpu.vector_load_idx %arg5[%get3A_65] : memref<24576xf32, #tpu.memory_space<vmem>>[vector<16xi32>], vector<16xf32>,
      %swap3A_67 = arith.index_cast %add3A_63 : i32 to index
      %swap3A_68 = tpu.vector_load %arg7[%swap3A_67] {strides = array<i32>} : memref<49152xf32, #tpu.memory_space<vmem>>, vector<16xf32>,
      tpu.vector_store %arg7[%swap3A_67], %gather3A_66 {strides = array<i32>} : memref<49152xf32, #tpu.memory_space<vmem>>, vector<16xf32>,
      %scan3A_69 = arith.constant 6 : i32
      %scan3A_70 = arith.addi %scan3A_7, %scan3A_69 : i32
      %mul3A_71 = arith.constant 16 : i32
      %mul3A_72 = arith.muli %scan3A_70, %mul3A_71 : i32
      %add3A_73 = arith.constant 0 : i32
      %add3A_74 = arith.addi %add3A_73, %mul3A_72 : i32
      %get3A_75 = arith.index_cast %add3A_74 : i32 to index
      %get3A_76 = tpu.vector_load %arg6[%get3A_75] {strides = array<i32>} : memref<49152xi32, #tpu.memory_space<vmem>>, vector<16xi32>,
      %gather3A_77 = tpu.vector_load_idx %arg5[%get3A_76] : memref<24576xf32, #tpu.memory_space<vmem>>[vector<16xi32>], vector<16xf32>,
      %swap3A_78 = arith.index_cast %add3A_74 : i32 to index
      %swap3A_79 = tpu.vector_load %arg7[%swap3A_78] {strides = array<i32>} : memref<49152xf32, #tpu.memory_space<vmem>>, vector<16xf32>,
      tpu.vector_store %arg7[%swap3A_78], %gather3A_77 {strides = array<i32>} : memref<49152xf32, #tpu.memory_space<vmem>>, vector<16xf32>,
      %scan3A_80 = arith.constant 7 : i32
      %scan3A_81 = arith.addi %scan3A_7, %scan3A_80 : i32
      %mul3A_82 = arith.constant 16 : i32
      %mul3A_83 = arith.muli %scan3A_81, %mul3A_82 : i32
      %add3A_84 = arith.constant 0 : i32
      %add3A_85 = arith.addi %add3A_84, %mul3A_83 : i32
      %get3A_86 = arith.index_cast %add3A_85 : i32 to index
      %get3A_87 = tpu.vector_load %arg6[%get3A_86] {strides = array<i32>} : memref<49152xi32, #tpu.memory_space<vmem>>, vector<16xi32>,
      %gather3A_88 = tpu.vector_load_idx %arg5[%get3A_87] : memref<24576xf32, #tpu.memory_space<vmem>>[vector<16xi32>], vector<16xf32>,
      %swap3A_89 = arith.index_cast %add3A_85 : i32 to index
      %swap3A_90 = tpu.vector_load %arg7[%swap3A_89] {strides = array<i32>} : memref<49152xf32, #tpu.memory_space<vmem>>, vector<16xf32>,
      tpu.vector_store %arg7[%swap3A_89], %gather3A_88 {strides = array<i32>} : memref<49152xf32, #tpu.memory_space<vmem>>, vector<16xf32>,
    }
    %scan3A_6 = arith.constant 3072 : i32
    "tpu.region"() ({
      %run_scoped3A = tpu.sem_alloc : memref<!tpu.dma_semaphore, #tpu.memory_space<semaphore_mem>>
      %dma_start3A = tpu.memref_slice %arg4[%mul3A_2] : memref<1572864xf32, #tpu.memory_space<hbm>> -> memref<49152xf32, #tpu.memory_space<hbm>>
      %dma_start3A_7 = tpu.memref_slice %arg4[%mul3A_2] : memref<1572864xf32, #tpu.memory_space<hbm>> -> memref<49152xf32, #tpu.memory_space<hbm>>
      tpu.enqueue_dma source(%arg7 : memref<49152xf32, #tpu.memory_space<vmem>>) target(%dma_start3A_7 : memref<49152xf32, #tpu.memory_space<hbm>>) target_semaphore(%run_scoped3A : memref<!tpu.dma_semaphore, #tpu.memory_space<semaphore_mem>>)
      %dma_wait3A = tpu.memref_slice %arg4[%mul3A_2] : memref<1572864xf32, #tpu.memory_space<hbm>> -> memref<49152xf32, #tpu.memory_space<hbm>>
      %dma_wait3A_8 = tpu.memref_slice %arg4[%mul3A_2] : memref<1572864xf32, #tpu.memory_space<hbm>> -> memref<49152xf32, #tpu.memory_space<hbm>>
      tpu.wait_dma2 semaphore(%run_scoped3A : memref<!tpu.dma_semaphore, #tpu.memory_space<semaphore_mem>>) src(%arg7 : memref<49152xf32, #tpu.memory_space<vmem>>) dst(%dma_wait3A_8 : memref<49152xf32, #tpu.memory_space<hbm>>)
      tpu.yield
    }) : () -> ()
    return
  }
}

module attributes {stable_mosaic.version = 14 : i64} {
  func.func @_addr_body(%arg0: i32, %arg1: memref<6x12xi32, #tpu.memory_space<vmem>>, %arg2: memref<48x8192xi32, #tpu.memory_space<vmem>>, %arg3: memref<6x8192xi32, #tpu.memory_space<vmem>>) attributes {dimension_semantics = [#tpu.dimension_semantics<arbitrary>], iteration_bounds = array<i64: 32>, scalar_prefetch = 0 : i64, scratch_operands = 0 : i64, tpu.core_type = #tpu.core_type<tc>, window_params = [{pipeline_mode = #tpu.pipeline_mode<synchronous>, transform_indices = @transform_0, window_bounds = array<i64: 6, 12>}, {transform_indices = @transform_1, window_bounds = array<i64: 48, 8192>}, {transform_indices = @transform_2, window_bounds = array<i64: 6, 8192>}]} {
    %get3A = arith.constant 0 : index
    %get3A_0 = arith.constant 0 : index
    %get3A_1 = vector.load %arg1[%get3A, %get3A_0] : memref<6x12xi32, #tpu.memory_space<vmem>>, vector<6x12xi32>
    %iota3A = tpu.iota {dimensions = array<i32: 2>} : vector<6x12x48xi32>
    %iota3A_2 = tpu.iota {dimensions = array<i32: 1>} : vector<6x12x48xi32>
    %sub3A = arith.constant 11 : i32
    %sub3A_3 = vector.broadcast %sub3A : i32 to vector<6x12x48xi32>
    %sub3A_4 = arith.subi %sub3A_3, %iota3A_2 : vector<6x12x48xi32>
    %shift_left3A = arith.constant 1 : i32
    %shift_left3A_5 = vector.broadcast %shift_left3A : i32 to vector<6x12x48xi32>
    %shift_left3A_6 = arith.shli %shift_left3A_5, %sub3A_4 : vector<6x12x48xi32>
    %broadcast_in_dim3A = vector.shape_cast %get3A_1 : vector<6x12xi32> to vector<6x12x1xi32>
    %eq3A = vector.broadcast %broadcast_in_dim3A : vector<6x12x1xi32> to vector<6x12x48xi32>
    %eq3A_7 = arith.cmpi eq, %eq3A, %iota3A : vector<6x12x48xi32>
    %jit3A = arith.constant 0 : i32
    %broadcast_in_dim3A_8 = vector.broadcast %jit3A : i32 to vector<6x12x48xi32>
    %select_n3A = arith.select %eq3A_7, %shift_left3A_6, %broadcast_in_dim3A_8 : vector<6x12x48xi1>, vector<6x12x48xi32>
    %reduce_sum3A = arith.constant dense<0> : vector<6x48xi32>
    %reduce_sum3A_9 = vector.multi_reduction <add>, %select_n3A, %reduce_sum3A [1] : vector<6x12x48xi32> to vector<6x48xi32>
    %shift_right_arithmetic3A = arith.constant 6 : i32
    %shift_right_arithmetic3A_10 = vector.broadcast %shift_right_arithmetic3A : i32 to vector<6x48xi32>
    %shift_right_arithmetic3A_11 = arith.shrsi %reduce_sum3A_9, %shift_right_arithmetic3A_10 : vector<6x48xi32>
    %convert_element_type3A = arith.sitofp %shift_right_arithmetic3A_11 : vector<6x48xi32> to vector<6x48xbf16>
    %and3A = arith.constant 63 : i32
    %and3A_12 = vector.broadcast %and3A : i32 to vector<6x48xi32>
    %and3A_13 = arith.andi %reduce_sum3A_9, %and3A_12 : vector<6x48xi32>
    %convert_element_type3A_14 = arith.sitofp %and3A_13 : vector<6x48xi32> to vector<6x48xbf16>
    %get3A_15 = arith.constant 0 : index
    %get3A_16 = arith.constant 0 : index
    %get3A_17 = vector.load %arg2[%get3A_15, %get3A_16] : memref<48x8192xi32, #tpu.memory_space<vmem>>, vector<48x8192xi32>
    %convert_element_type3A_18 = arith.sitofp %get3A_17 : vector<48x8192xi32> to vector<48x8192xbf16>
    %dot_general3A = arith.constant dense<0.000000e+00> : vector<6x8192xf32>
    %dot_general3A_19 = tpu.matmul %convert_element_type3A, %convert_element_type3A_18, %dot_general3A {dimension_numbers = #tpu.dot_dimension_numbers<[1], [0], [0], [1], [0, 0, 1, 1], [], []>, transpose_lhs_hint = false} : vector<6x48xbf16>, vector<48x8192xbf16>, vector<6x8192xf32> -> vector<6x8192xf32>
    %dot_general3A_20 = arith.constant dense<0.000000e+00> : vector<6x8192xf32>
    %dot_general3A_21 = tpu.matmul %convert_element_type3A_14, %convert_element_type3A_18, %dot_general3A_20 {dimension_numbers = #tpu.dot_dimension_numbers<[1], [0], [0], [1], [0, 0, 1, 1], [], []>, transpose_lhs_hint = false} : vector<6x48xbf16>, vector<48x8192xbf16>, vector<6x8192xf32> -> vector<6x8192xf32>
    %mul3A = arith.constant 6.400000e+01 : f32
    %mul3A_22 = vector.broadcast %mul3A : f32 to vector<6x8192xf32>
    %mul3A_23 = arith.mulf %dot_general3A_19, %mul3A_22 : vector<6x8192xf32>
    %add3A = arith.addf %mul3A_23, %dot_general3A_21 : vector<6x8192xf32>
    %convert_element_type3A_24 = arith.fptosi %add3A : vector<6x8192xf32> to vector<6x8192xi32>
    %iota3A_25 = tpu.iota {dimensions = array<i32: 0>} : vector<6x8192xi32>
    %mul3A_26 = arith.constant 4096 : i32
    %mul3A_27 = vector.broadcast %mul3A_26 : i32 to vector<6x8192xi32>
    %mul3A_28 = arith.muli %iota3A_25, %mul3A_27 : vector<6x8192xi32>
    %add3A_29 = arith.addi %convert_element_type3A_24, %mul3A_28 : vector<6x8192xi32>
    %swap3A = arith.constant 0 : index
    %swap3A_30 = arith.constant 0 : index
    %swap3A_31 = vector.load %arg3[%swap3A, %swap3A_30] : memref<6x8192xi32, #tpu.memory_space<vmem>>, vector<6x8192xi32>
    tpu.vector_store %arg3[%swap3A, %swap3A_30], %add3A_29 {strides = array<i32>} : memref<6x8192xi32, #tpu.memory_space<vmem>>, vector<6x8192xi32>,
    return
  }
  func.func @transform_0(%arg0: i32) -> (i32, i32) {
    %c0_i32 = arith.constant 0 : i32
    %c0_i32_0 = arith.constant 0 : i32
    %c0_i32_1 = arith.constant 0 : i32
    return %c0_i32, %c0_i32_0 : i32, i32
  }
  func.func @transform_1(%arg0: i32) -> (i32, i32) {
    %c0_i32 = arith.constant 0 : i32
    %c0_i32_0 = arith.constant 0 : i32
    return %c0_i32, %arg0 : i32, i32
  }
  func.func @transform_2(%arg0: i32) -> (i32, i32) {
    %c0_i32 = arith.constant 0 : i32
    %c0_i32_0 = arith.constant 0 : i32
    return %c0_i32, %arg0 : i32, i32
  }
}

</mosaic_0001>

<sc_bundles>
// kernel: kernel.4.cloned.1.call-start
scs
__scs_entry_jumppad:
0x0: {  	(pc) =	sbr.rel $0x88, $3  }
0x1: {  	(tag) =	ssettag $0x0;
	lr =	simm.s32 $0x1  }
0x2: {  	[smem:$0x3F9E] =	sst lr;
	_ =	strace $0xD0000000  }
0x3: {  	_ = 	snop  }
0x4: {  	_ = 	snop  }
0x5: {  	_ = 	snop  }
0x6: {  	_ = 	snop  }
0x7: {  	_ = 	snop  }
__scs_overlays_trampoline_lowered:
0x8: {  	[smem:$0x3FAD] =	sst s0  }
0x9: {  	[smem:$0x3FAE] =	sst s1  }
0xa: {  	[smem:$0x3FAF] =	sst s2  }
0xb: {  	[smem:$0x3FB0] =	sst s3  }
0xc: {  	[smem:$0x3FB1] =	sst s4  }
0xd: {  	[smem:$0x3FB2] =	sst s5  }
0xe: {  	[smem:$0x3FB3] =	sst s6  }
0xf: {  	[smem:$0x3FB4] =	sst s7  }
0x10: {  	[smem:$0x3FB5] =	sst s8  }
0x11: {  	[smem:$0x3FB6] =	sst s9;
	s0 =	simm.s32 @!p0 $0x0  }
0x12: {  	s1 =	sld [smem:$0x3F9C];
	s0 =	simm.s32 @p0 $0x1  }
0x13: {  	[smem:$0x3FB7] =	sst s0;
	s0 =	simm.s32 @!p1 $0x0  }
0x14: {  	s2 =	sld [smem:$0x3F9B];
	s0 =	simm.s32 @p1 $0x1  }
0x15: {  	[smem:$0x3FB8] =	sst s0;
	s0 =	simm.s32 @!p2 $0x0  }
0x16: {  	s3 =	sld [smem:$0x3FDB];
	s0 =	simm.s32 @p2 $0x1  }
0x17: {  	s4 =	simm.s32 $0x1BF5;
	[smem:$0x3FBA] =	sst s0  }
0x18: {  	s0 =	sld [smem:$0x3F9D];
	_ =	swait.ge [sflag:s4], $0x0  }
0x19: {  	s7 =	sld [smem:$0x3F9E]  }
0x1a: {  	s8 =	sadd.s32 $0xFFFFE003, lr  }
0x1b: {  	s9 =	sadd.s32 $0xFFFFFEF7, lr;
	s5 =	simm.s32 $0xFFFFFFFF;
	p2 =	slt.u32 s8, $0xFFFFF086  }
0x1c: {  	p1 =	slt.u32 s9, $0xF7A;
	s5 =	simm.s32 @!p2 $0x0  }
0x1d: {  	s5 =	simm.s32 @p1 $0x1;
	p0 =	seq.s32 s7, s2  }
0x1e: {  	s7 =	smul.u32 @!p0 $0xF7A, s2;
	p2 =	seq.s32 @!p0 s5, $0x0  }
0x1f: {  	s9 =	smul.u32 $0xF7A, s1;
	s8 =	simm.s32 @!p0 $0x1BF5;
	p2 =	por !p2, p0  }
0x20: {  	[sflag:s8] =	ssyncset.s32 @!p0 $0xFFFFF086;
	s6 =	sadd.s32 @!p0 s3, s7;
	s7 =	simm.s32 @!p0 $0x108  }
0x21: {  	s3 =	sadd.s32 s3, s9;
	s6 =	sadd.s32 @!p0 $0x88, s6;
	s7 =	simm.s32 @p2 $0x1082  }
0x22: {  	[simem:s7], [sflag:s8] =	dma.local @!p0 [hbm:s6], $0xF7A  }
0x23: {  	s9 =	sor.u32 $0xD0000000, s2;
	s6 =	simm.s32 $0x108;
	_ =	swait.ge @!p0 [sflag:s8], $0x0  }
0x24: {  	s3 =	sadd.s32 $0x88, s3;
	s6 =	simm.s32 @!p1 $0x1082;
	[sflag:s4] =	ssyncset.s32 $0xFFFFF086  }
0x25: {  	[simem:s6], [sflag:s4] =	dma.local [hbm:s3], $0xF7A  }
0x26: {  	[smem:$0x3F9E] =	sst s1;
	(tag) =	ssettag s2;
	_ =	strace s9  }
0x27: {  	s1 =	sld [smem:$0x3FAE]  }
0x28: {  	s2 =	sld [smem:$0x3FAF]  }
0x29: {  	s4 =	sld [smem:$0x3FB1]  }
0x2a: {  	p0 =	seq.s32 s5, $0x0;
	s5 =	sld [smem:$0x3FB2]  }
0x2b: {  	s6 =	sld [smem:$0x3FB3]  }
0x2c: {  	s7 =	sld [smem:$0x3FB4]  }
0x2d: {  	s3 =	simm.s32 $0x108;
	s8 =	sld [smem:$0x3FB5]  }
0x2e: {  	s3 =	simm.s32 @!p0 $0x1082;
	s9 =	sld [smem:$0x3FB6]  }
0x2f: {  	lr =	sadd.s32 s0, s3;
	s0 =	sld [smem:$0x3FAD]  }
0x30: {  	s3 =	sld [smem:$0x3FB0]  }
0x31: {  	[smem:$0x3FB9] =	sst s10  }
0x32: {  	s10 =	sld [smem:$0x3FB7];
	_ =	sdelay $0x3  }
0x33: {  	p0 =	seq.s32 s10, $0x1;
	s10 =	sld [smem:$0x3FB9];
	_ =	sdelay $0x3  }
0x34: {  	[smem:$0x3FB9] =	sst s10  }
0x35: {  	s10 =	sld [smem:$0x3FB8];
	_ =	sdelay $0x3  }
0x36: {  	p1 =	seq.s32 s10, $0x1;
	s10 =	sld [smem:$0x3FB9];
	_ =	sdelay $0x3  }
0x37: {  	[smem:$0x3FB9] =	sst s10  }
0x38: {  	s10 =	sld [smem:$0x3FBA]  }
0x39: {  	_ = 	snop;
	(pc) =	sbr.ind lr, $3  }
0x3a: {  	_ = 	snop  }
0x3b: {  	_ = 	snop  }
0x3c: {  	p2 =	seq.s32 s10, $0x1;
	s10 =	sld [smem:$0x3FB9]  }
0x3d: {  	_ =	shalt  }
0x3e: {  	_ =	shalt  }
0x3f: {  	_ =	shalt  }
0x40: {  	_ =	shalt  }
0x41: {  	_ =	shalt  }
0x42: {  	_ =	shalt  }
0x43: {  	_ =	shalt  }
0x44: {  	_ =	shalt  }
0x45: {  	_ =	shalt  }
0x46: {  	_ =	shalt  }
0x47: {  	_ =	shalt  }
0x48: {  	_ =	shalt  }
0x49: {  	_ =	shalt  }
0x4a: {  	_ =	shalt  }
0x4b: {  	_ =	shalt  }
0x4c: {  	_ =	shalt  }
0x4d: {  	_ =	shalt  }
0x4e: {  	_ =	shalt  }
0x4f: {  	_ =	shalt  }
0x50: {  	_ =	shalt  }
0x51: {  	_ =	shalt  }
0x52: {  	_ =	shalt  }
0x53: {  	_ =	shalt  }
0x54: {  	_ =	shalt  }
0x55: {  	_ =	shalt  }
0x56: {  	_ =	shalt  }
0x57: {  	_ =	shalt  }
0x58: {  	_ =	shalt  }
0x59: {  	_ =	shalt  }
0x5a: {  	_ =	shalt  }
0x5b: {  	_ =	shalt  }
0x5c: {  	_ =	shalt  }
0x5d: {  	_ =	shalt  }
0x5e: {  	_ =	shalt  }
0x5f: {  	_ =	shalt  }
0x60: {  	_ =	shalt  }
0x61: {  	_ =	shalt  }
0x62: {  	_ =	shalt  }
0x63: {  	_ =	shalt  }
0x64: {  	_ =	shalt  }
0x65: {  	_ =	shalt  }
0x66: {  	_ =	shalt  }
0x67: {  	_ =	shalt  }
0x68: {  	_ =	shalt  }
0x69: {  	_ =	shalt  }
0x6a: {  	_ =	shalt  }
0x6b: {  	_ =	shalt  }
0x6c: {  	_ =	shalt  }
0x6d: {  	_ =	shalt  }
0x6e: {  	_ =	shalt  }
0x6f: {  	_ =	shalt  }
0x70: {  	_ =	shalt  }
0x71: {  	_ =	shalt  }
0x72: {  	_ =	shalt  }
0x73: {  	_ =	shalt  }
0x74: {  	_ =	shalt  }
0x75: {  	_ =	shalt  }
0x76: {  	_ =	shalt  }
0x77: {  	_ =	shalt  }
0x78: {  	_ =	shalt  }
0x79: {  	_ =	shalt  }
0x7a: {  	_ =	shalt  }
0x7b: {  	_ =	shalt  }
0x7c: {  	_ =	shalt  }
0x7d: {  	_ =	shalt  }
0x7e: {  	_ =	shalt  }
0x7f: {  	_ =	shalt  }
0x80: {  	_ =	shalt  }
0x81: {  	_ =	shalt  }
0x82: {  	_ =	shalt  }
0x83: {  	_ =	shalt  }
0x84: {  	_ =	shalt  }
0x85: {  	_ =	shalt  }
0x86: {  	_ =	shalt  }
0x87: {  	_ =	shalt  }
.Lfunc_end0:
.L_simem_size_0:
called_computation_lowered:
.L_overlay_start_0:
0x88: {  	s2 =	sld [smem:$0x3FD9]  }
0x89: {  	s3 =	sld [smem:$0x3FFE];
	_ =	sdelay $0x1  }
0x8a: {  	s1 =	srdreg.scid  }
0x8b: {  	s0 =	sand.u32 $0x1, s1  }
0x8c: {  	s17 =	sshll.u32 s0, $0xA;
	s2 =	sadd.s32 s3, s2  }
0x8d: {  	s2 =	sadd.s32 s2, s17  }
0x8e: {  	[smem:$0x3FC5] =	sst s2  }
0x8f: {  	_ = 	snop  }
0x90: {  	s2 =	sld [smem:$0x3FD0];
	(tm) =	ssettm $0x1  }
0x91: {  	s18 =	sld [smem:$0x3FFB];
	_ =	sdelay $0x3  }
0x92: {  	_ =	strace s18  }
0x93: {  	s3 =	sld [smem:$0x3FFC];
	_ =	sdelay $0x3  }
0x94: {  	_ =	strace s3  }
0x95: {  	s3 =	sld [smem:$0x3FFD];
	_ =	sdelay $0x3  }
0x96: {  	_ =	strace s3  }
0x97: {  	_ =	strace $0x8FFFFFFF  }
0x98: {  	s19 =	sld [smem:$0x3FDB];
	_ =	sdelay $0x1  }
0x99: {  	s4 =	simm.s32 $_scs_section_size  }
0x9a: {  	s5 =	simm.s32 $_size__tile_overlayer_lowered;
	s6 =	simm.s32 $_tile_overlayer_lowered  }
0x9b: {  	s22 =	simm.s32 $0x1BFF;
	s21 =	sshll.u32 s6, $0x1;
	s3 =	sadd.s32 s4, s19  }
0x9c: {  	s7 =	simm.s32 $0x0;
	s20 =	sshll.u32 s5, $0x1;
	s5 =	sadd.s32 s21, s3  }
0x9d: {  	[timem:s7], [sflag:s22] =	dma.local [hbm:s5], s20  }
0x9e: {  	_ =	swait.ge [sflag:s22], s20  }
0x9f: {  	s4 =	ssub.s32 $0x0, s20;
	[sflag:s22] =	ssyncset.done $0x0  }
0xa0: {  	[sflag:s22] =	ssyncadd.s32 s4;
	_ =	sdelay $0x1  }
0xa1: {  	s23 =	simm.s32 $0x1B8B  }
0xa2: {  	_ =	swait.ge [sflag:s23], $0x1  }
0xa3: {  	[sflag:s23] =	ssyncset.done $0x0  }
0xa4: {  	s25 =	simm.s32 $0x1B8E;
	s24 =	sld [smem:$0x3FFE];
	[sflag:s23] =	ssyncadd.s32 $0xFFFFFFFF  }
0xa5: {  	s26 =	simm.s32 $execute0_lowered;
	[smem:$0x3FD2] =	sst s25  }
0xa6: {  	s5 =	sshll.u32 s26, $0x1;
	_ =	strace $0x80000046;
	[dreg:$0x1] =	wrdreg $0xFFFFFFFF  }
0xa7: {  	s28 =	simm.s32 $_size_execute0_lowered;
	s3 =	sadd.s32 s3, s5;
	[dreg:$0x0] =	wrdreg $0x0  }
0xa8: {  	s5 =	sshll.u32 s28, $0x1;
	[dreg:$0x2] =	wrdreg s3  }
0xa9: {  	[dreg:$0x3] =	wrdreg s5  }
0xaa: {  	[dreg:$0x4] =	wrdreg $0xC0  }
0xab: {  	_ =	task [dreg:s7], $0x5FFFF  }
0xac: {  	[dreg:$0x1] =	wrdreg $0xFFFFFFFF  }
0xad: {  	[dreg:$0x0] =	wrdreg $0x60  }
0xae: {  	[dreg:$0x2] =	wrdreg s2  }
0xaf: {  	[dreg:$0x3] =	wrdreg s24  }
0xb0: {  	[dreg:$0x4] =	wrdreg $0x9  }
0xb1: {  	_ =	task.clear_ibuf [dreg:s7], $0x5FFFF;
	_ =	strace $0x90000046  }
0xb2: {  	s29 =	simm.s32 $0x9;
	_ =	strace $0x80000048  }
0xb3: {  	_ =	swait.ge [sflag:s29], $0x1  }
0xb4: {  	[sflag:s29] =	ssyncadd.s32 $0xFFFFFFFF  }
0xb5: {  	_ =	strace $0x90000048  }
0xb6: {  	_ =	sfence  }
0xb7: {  	s30 =	sld [smem:$0x0];
	_ =	sdelay $0x2  }
0xb8: {  	s31 =	sshll.u32 s1, $0xD;
	s1 =	sshrl.u32 s1, $0x2  }
0xb9: {  	s3 =	sand.u32 $0x4000, s31;
	s1 =	sadd.s32 s1, s30  }
0xba: {  	s0 =	sor.u32 s3, s0;
	s1 =	sshll.u32 s1, $0x11  }
0xbb: {  	s0 =	sor.u32 s1, s0  }
0xbc: {  	s0 =	sadd.s32 $0x8F2B, s0  }
0xbd: {  	[sflag:s0] =	ssyncadd.remote.s32 $0x1  }
0xbe: {  	_ =	sfence.sel $0xFFFF  }
0xbf: {  	[dreg:$0x0] =	wrdreg $0xFFFFFFFF;
	(pc) =	sbr.abs _section_cstart, $3  }
0xc0: {  	[dreg:$0x1] =	wrdreg $0xFFFFFFFF  }
0xc1: {  	_ =	task.clear_ibuf [dreg:s7], $0x2FFFF;
	_ =	strace $0x9FFFFFFF  }
0xc2: {  	(tm) =	ssettm $0x7FFFFFFF  }
0xc3: {  	_ =	shalt  }
tec
execute0_lowered:
.L_overlay_start_1:
0x0: {  	(tag) =	ssettag $0x1  }
0x1: {  	s4 =	rddreg [dreg:$0x0]  }
0x2: {  	s1 =	srdreg.scid;
	s0 =	stileid.u32  }
0x3: {  	s5 =	rddreg [dreg:$0x1];
	s2 =	simm.s32 $0x0;
	s9 =	simm.s32 $0x12000  }
0x4: {  	s10 =	simm.s32 $0x0;
	s3 =	sand.u32 $0x1, s1;
	s6 =	sshll.u32 s0, $0x1  }
0x5: {  	s1 =	rddreg [dreg:$0x2];
	s6 =	sor.u32 s3, s6;
	s7 =	ssub.s32 $0x2, s3  }
0x6: {  	[smem:$0x7FF] =	sst s2;
	s6 =	smul.u32 $0x1800, s6;
	s8 =	sshrl.u32 s7, $0x1  }
0x7: {  	_ =	strace $0x80000047;
	s3 =	sadd.s32 $0x800, s5;
	s7 =	ssub.s32 s7, s8  }
0x8: {  	s8 =	simm.s32 $0x6000;
	s5 =	sadd.s32 s6, s5;
	s4 =	sadd.s32 s4, s6  }
0x9: {  	s6 =	smax.u32 s7, $0x1;
	s7 =	simm.s32 $0x1;
	s5 =	sadd.s32 $0x1400, s5  }
.LBB2_1:
0xa: {  	[tilespmem:s2], [sflag:$0x1] =	stream.linear.gather [hbm4b:s3+s2], $0x6000, $0x38;
	[tilespmem:$0x1E000] =	vst v63  }
0xb: {  	_ =	swait.ge [sflag:s7], $0x6000  }
0xc: {  	[sflag:s7] =	ssyncset.done $0x0  }
0xd: {  	[sflag:s7] =	ssyncadd.s32 $0xFFFFA000  }
0xe: {  	[tilespmem:s8], [sflag:$0x1] =	stream.linear.gather [hbm4b:s4+s2], $0xC000, $0x38;
	[tilespmem:$0x1E000] =	vst v63  }
0xf: {  	_ =	swait.ge [sflag:s7], $0xC000  }
0x10: {  	s11 =	simm.s32 $0xFFFFFFF8;
	[sflag:s7] =	ssyncset.done $0x0  }
0x11: {  	s12 =	simm.s32 $0x6040;
	s13 =	simm.s32 $0x12040;
	[sflag:s7] =	ssyncadd.s32 $0xFFFF4000  }
.LBB2_2:
0x12: {  	v0 =	vld [tilespmem:s12+$0xFFFFFFC0];
	_ =	sdelay $0x7  }
0x13: {  	v0 =	vld.idx.msk [tilespmem:v0+s2+$0x0], $0xffff;
	_ =	sdelay $0x4  }
0x14: {  	[tilespmem:s13+$0xFFFFFFC0] =	vst v0  }
0x15: {  	v0 =	vld [tilespmem:s12+$0xFFFFFFD0];
	_ =	sdelay $0x7  }
0x16: {  	v0 =	vld.idx.msk [tilespmem:v0+s2+$0x0], $0xffff;
	_ =	sdelay $0x4  }
0x17: {  	[tilespmem:s13+$0xFFFFFFD0] =	vst v0  }
0x18: {  	v0 =	vld [tilespmem:s12+$0xFFFFFFE0];
	_ =	sdelay $0x7  }
0x19: {  	v0 =	vld.idx.msk [tilespmem:v0+s2+$0x0], $0xffff;
	_ =	sdelay $0x4  }
0x1a: {  	[tilespmem:s13+$0xFFFFFFE0] =	vst v0  }
0x1b: {  	v0 =	vld [tilespmem:s12+$0xFFFFFFF0];
	_ =	sdelay $0x7  }
0x1c: {  	v0 =	vld.idx.msk [tilespmem:v0+s2+$0x0], $0xffff;
	_ =	sdelay $0x4  }
0x1d: {  	[tilespmem:s13+$0xFFFFFFF0] =	vst v0  }
0x1e: {  	v0 =	vld [tilespmem:s12+$0x0];
	_ =	sdelay $0x7  }
0x1f: {  	v0 =	vld.idx.msk [tilespmem:v0+s2+$0x0], $0xffff;
	_ =	sdelay $0x4  }
0x20: {  	[tilespmem:s13+$0x0] =	vst v0  }
0x21: {  	v0 =	vld [tilespmem:s12+$0x10];
	_ =	sdelay $0x7  }
0x22: {  	v0 =	vld.idx.msk [tilespmem:v0+s2+$0x0], $0xffff;
	_ =	sdelay $0x4  }
0x23: {  	[tilespmem:s13+$0x10] =	vst v0  }
0x24: {  	v0 =	vld [tilespmem:s12+$0x20];
	_ =	sdelay $0x7  }
0x25: {  	v0 =	vld.idx.msk [tilespmem:v0+s2+$0x0], $0xffff;
	_ =	sdelay $0x4  }
0x26: {  	[tilespmem:s13+$0x20] =	vst v0  }
0x27: {  	v0 =	vld [tilespmem:s12+$0x30];
	_ =	sdelay $0x6  }
0x28: {  	s11 =	sadd.s32 $0x8, s11  }
0x29: {  	p0 =	slt.u32 s11, $0xBF8;
	v0 =	vld.idx.msk [tilespmem:v0+s2+$0x0], $0xffff  }
.Ltmp0:
0x2a: {  	_ = 	snop;
	(pc) =	sbr.rel @p0 .LBB2_2-.Ltmp0, $2  }
0x2b: {  	_ =	sdelay $0x2  }
0x2c: {  	s12 =	sadd.s32 $0x80, s12;
	[tilespmem:s13+$0x30] =	vst v0;
	s13 =	sadd.s32 $0x80, s13  }
0x2d: {  	s10 =	sadd.s32 $0x1, s10  }
0x2e: {  	p0 =	sne.s32 s10, s6  }
.Ltmp1:
0x2f: {  	_ = 	snop;
	(pc) =	sbr.rel @p0 .LBB2_1-.Ltmp1, $4  }
0x30: {  	[hbm4b:s5+s2] =	stream.linear.scatter [tilespmem:s9], [sflag:$0x1], $0xC000, $0x38;
	[tilespmem:$0x1E000] =	vst v63  }
0x31: {  	_ =	swait.ge [sflag:s7], $0xC000  }
0x32: {  	[sflag:s7] =	ssyncset.done $0x0  }
0x33: {  	[sflag:s7] =	ssyncadd.s32 $0xFFFF4000  }
0x34: {  	_ =	sfence.sel $0x180000  }
0x35: {  	[bflag:$0x0] =	sbarrier.arrive $0xFFFF  }
0x36: {  	p0 =	sne.s32 s0, $0x0;
	_ =	strace $0x90000047  }
0x37: {  	s0 =	sadd.s32 @!p0 $0x100000, s1;
	[bflag:$0x2] =	sbarrier.arrive $0xFFFF  }
0x38: {  	[sflag:s0] =	ssyncadd.tile.s32 @!p0 $0x1;
	_ =	shalt  }
.Lfunc_end2:
_tile_overlayer_lowered:
.L_overlay_start_2:
0x39: {  	(tag) =	ssettag $0x2  }
0x3a: {  	s0 =	rddreg [dreg:$0x0];
	s2 =	stileid.u32  }
0x3b: {  	s1 =	rddreg [dreg:$0x1];
	p0 =	sne.s32 s2, $0x0  }
0x3c: {  	s3 =	rddreg [dreg:$0x2];
	[bflag:$0x3] =	sbarrier.arrive $0xFFFF;
	s2 =	simm.s32 @!p0 $0x1C01  }
0x3d: {  	[timem:s3], [sflag:s2] =	dma.local @!p0 [hbm:s0], s1  }
0x3e: {  	s0 =	simm.s32 @!p0 $0x1  }
0x3f: {  	_ =	swait.ge @!p0 [sflag:s0], s1  }
0x40: {  	s1 =	ssub.s32 @!p0 $0x0, s1;
	[sflag:s0] =	ssyncset.done @!p0 $0x0  }
0x41: {  	[sflag:s0] =	ssyncadd.s32 @!p0 s1  }
0x42: {  	[bflag:$0x3] =	sbarrier.arrive $0xFFFF  }
0x43: {  	_ =	shalt  }

</sc_bundles>
